<compile_context>
chip_gen: v7x
topology: tpu7x:2x2x1
jax: 0.10.2.dev20260603
libtpu: 0.0.44.dev20260713+nightly
codegen_flags: <defaults>
</compile_context>

<pallas_src>
import functools

import numpy as np
import jax
import jax.numpy as jnp
from jax.experimental import pallas as pl
from jax.experimental.pallas import tpu as pltpu

IN_C = 512
MID_C = 512
FEAT_STRIDE = 16
RATIOS = (0.5, 1.0, 2.0)
SCALES = (8, 16, 32)
IMG_H = 800
IMG_W = 800
HH = 50
WW = 50
N_PRE = 2000
N_POST = 300
NMS_T = 0.7
MIN_SIZE = 16.0
N_ANCHOR = 9
HW = HH * WW
HW_PAD = 2560
OUT_COLS = 128


def _anchor_base_np(base_size=16.0, ratios=RATIOS, anchor_scales=SCALES):
    py = base_size / 2.0
    px = base_size / 2.0
    ab = np.zeros((len(ratios) * len(anchor_scales), 4), dtype=np.float32)
    for i in range(len(ratios)):
        for j in range(len(anchor_scales)):
            h = base_size * anchor_scales[j] * np.sqrt(ratios[i])
            w = base_size * anchor_scales[j] * np.sqrt(1.0 / ratios[i])
            idx = i * len(anchor_scales) + j
            ab[idx, 0] = py - h / 2.0
            ab[idx, 1] = px - w / 2.0
            ab[idx, 2] = py + h / 2.0
            ab[idx, 3] = px + w / 2.0
    return ab


def _anchors_np():
    ab = _anchor_base_np()
    shift_y = np.arange(0, HH * FEAT_STRIDE, FEAT_STRIDE)
    shift_x = np.arange(0, WW * FEAT_STRIDE, FEAT_STRIDE)
    shift_x, shift_y = np.meshgrid(shift_x, shift_y)
    shift = np.stack((shift_y.ravel(), shift_x.ravel(),
                      shift_y.ravel(), shift_x.ravel()), axis=1)
    A = ab.shape[0]
    K = shift.shape[0]
    anchor = ab.reshape((1, A, 4)) + shift.reshape((1, K, 4)).transpose((1, 0, 2))
    return anchor.reshape((K * A, 4)).astype(np.float32)


_ANCHORS = _anchors_np()


def _conv_head_body(tap_ref, w_ref, w2_ref, b1_ref, b2_ref, out_ref, hacc):
    t = pl.program_id(0)

    @pl.when(t == 0)
    def _init():
        hacc[...] = jnp.zeros((HW_PAD, MID_C), jnp.float32)

    hacc[...] += jnp.dot(tap_ref[0], w_ref[0],
                         preferred_element_type=jnp.float32)

    @pl.when(t == 8)
    def _finish():
        h = jnp.maximum(hacc[...] + b1_ref[...], 0.0)
        out_ref[...] = jnp.dot(h, w2_ref[...],
                               preferred_element_type=jnp.float32) + b2_ref[...]


def _conv_head(x, W1, b1, Ws, bs, Wl, bl):
    xhwc = x[0].transpose(1, 2, 0)
    xp = jnp.pad(xhwc, ((1, 1), (1, 1), (0, 0)))
    taps = []
    for dy in range(3):
        for dx in range(3):
            sl = xp[dy:dy + HH, dx:dx + WW, :].reshape(HW, IN_C)
            taps.append(sl)
    taps = jnp.stack(taps, axis=0)
    taps = jnp.pad(taps, ((0, 0), (0, HW_PAD - HW), (0, 0)))

    wst = jnp.stack([W1[:, :, dy, dx].T for dy in range(3) for dx in range(3)],
                    axis=0)

    w2 = jnp.concatenate([Wl[:, :, 0, 0].T, Ws[:, :, 0, 0].T], axis=1)
    w2 = jnp.pad(w2, ((0, 0), (0, OUT_COLS - w2.shape[1])))
    b2 = jnp.concatenate([bl, bs])
    b2 = jnp.pad(b2, (0, OUT_COLS - b2.shape[0])).reshape(1, OUT_COLS)
    b1r = b1.reshape(1, MID_C)

    y2 = pl.pallas_call(
        _conv_head_body,
        grid=(9,),
        in_specs=[
            pl.BlockSpec((1, HW_PAD, IN_C), lambda t: (t, 0, 0)),
            pl.BlockSpec((1, IN_C, MID_C), lambda t: (t, 0, 0)),
            pl.BlockSpec((MID_C, OUT_COLS), lambda t: (0, 0)),
            pl.BlockSpec((1, MID_C), lambda t: (0, 0)),
            pl.BlockSpec((1, OUT_COLS), lambda t: (0, 0)),
        ],
        out_specs=pl.BlockSpec((HW_PAD, OUT_COLS), lambda t: (0, 0)),
        out_shape=jax.ShapeDtypeStruct((HW_PAD, OUT_COLS), jnp.float32),
        scratch_shapes=[pltpu.VMEM((HW_PAD, MID_C), jnp.float32)],
        compiler_params=pltpu.CompilerParams(
            dimension_semantics=("arbitrary",)),
    )(taps, wst, w2, b1r, b2)
    return y2


def _loc2bbox(anchor, loc):
    src_h = anchor[:, 2] - anchor[:, 0]
    src_w = anchor[:, 3] - anchor[:, 1]
    src_cy = anchor[:, 0] + 0.5 * src_h
    src_cx = anchor[:, 1] + 0.5 * src_w
    dy, dx, dh, dw = loc[:, 0], loc[:, 1], loc[:, 2], loc[:, 3]
    cy = dy * src_h + src_cy
    cx = dx * src_w + src_cx
    h = jnp.exp(dh) * src_h
    w = jnp.exp(dw) * src_w
    return jnp.stack([cy - 0.5 * h, cx - 0.5 * w, cy + 0.5 * h, cx + 0.5 * w],
                     axis=1)


def _pairwise_iou(b):
    tl = jnp.maximum(b[:, None, :2], b[None, :, :2])
    br = jnp.minimum(b[:, None, 2:], b[None, :, 2:])
    wh = jnp.clip(br - tl, 0.0)
    inter = wh[..., 0] * wh[..., 1]
    area = (b[:, 2] - b[:, 0]) * (b[:, 3] - b[:, 1])
    return inter / (area[:, None] + area[None, :] - inter + 1e-9)


def _nms_keep(boxes, thresh):
    n = boxes.shape[0]
    ious = _pairwise_iou(boxes)
    keep0 = jnp.zeros((n,), dtype=bool)
    sup0 = jnp.zeros((n,), dtype=bool)

    def body(i, state):
        keep, sup = state
        valid = jnp.logical_not(sup[i])
        keep = keep.at[i].set(valid)
        mask = jnp.logical_and(valid, ious[i] > thresh)
        mask = mask.at[i].set(False)
        return keep, jnp.logical_or(sup, mask)

    keep, _ = jax.lax.fori_loop(0, n, body, (keep0, sup0))
    return keep


def _proposals(loc, fg_score, anchor, img_size):
    img_size = img_size.astype(jnp.float32)
    roi = _loc2bbox(anchor, loc)
    roi = jnp.stack([
        jnp.clip(roi[:, 0], 0.0, img_size[0]),
        jnp.clip(roi[:, 1], 0.0, img_size[1]),
        jnp.clip(roi[:, 2], 0.0, img_size[0]),
        jnp.clip(roi[:, 3], 0.0, img_size[1]),
    ], axis=1)
    hs = roi[:, 2] - roi[:, 0]
    ws = roi[:, 3] - roi[:, 1]
    valid = jnp.logical_and(hs >= MIN_SIZE, ws >= MIN_SIZE)
    score = jnp.where(valid, fg_score, -jnp.inf)
    top_scores, order = jax.lax.top_k(score, N_PRE)
    roi = roi[order]
    keep = _nms_keep(roi, NMS_T)
    kept_scores = jnp.where(keep, top_scores, -jnp.inf)
    _, kidx = jax.lax.top_k(kept_scores, N_POST)
    return roi[kidx]


def kernel(x, W1, b1, Ws, bs, Wl, bl, img_size):
    n = x.shape[0]
    y2 = _conv_head(x, W1, b1, Ws, bs, Wl, bl)
    locs = y2[:HW, 0:36]
    scores_raw = y2[:HW, 36:54]

    rpn_locs = locs.reshape(n, HH * WW * N_ANCHOR, 4)
    rpn_scores = scores_raw.reshape(n, HH * WW * N_ANCHOR, 2)

    sr = scores_raw.reshape(HH, WW, N_ANCHOR, 2)
    soft = jax.nn.softmax(sr, axis=3)
    fg = soft[..., 1].reshape(-1)

    anchor = jnp.asarray(_ANCHORS)
    rois = _proposals(rpn_locs[0], fg, anchor, img_size)
    roi_indices = jnp.zeros((N_POST,), dtype=jnp.int32)
    return rpn_locs, rpn_scores, rois, roi_indices, anchor

# --- scband reference (transcript-rebuilt; emitter-appended) ---
"""Pipeline reference for scband-region-proposal-network-15899968930427 (READ-ONLY COPY).

The authoritative reference and input builder live on the scoring server;
editing this copy changes nothing except your own understanding.
"""

import jax, jax.numpy as jnp
import numpy as np

IN_C = 512; MID_C = 512; FEAT_STRIDE = 16
RATIOS = (0.5, 1.0, 2.0); SCALES = (8, 16, 32)
IMG_H = 800; IMG_W = 800; HH = 50; WW = 50
N_PRE = 2000; N_POST = 300; NMS_T = 0.7; MIN_SIZE = 16.0
N_ANCHOR = len(RATIOS) * len(SCALES)


def generate_anchor_base(base_size=16.0, ratios=RATIOS, anchor_scales=SCALES):
    py = base_size / 2.0; px = base_size / 2.0
    ab = np.zeros((len(ratios) * len(anchor_scales), 4), dtype=np.float32)
    for i in range(len(ratios)):
        for j in range(len(anchor_scales)):
            h = base_size * anchor_scales[j] * np.sqrt(ratios[i])
            w = base_size * anchor_scales[j] * np.sqrt(1.0 / ratios[i])
            idx = i * len(anchor_scales) + j
            ab[idx, 0] = py - h / 2.0
            ab[idx, 1] = px - w / 2.0
            ab[idx, 2] = py + h / 2.0
            ab[idx, 3] = px + w / 2.0
    return ab


def enumerate_shifted_anchor(anchor_base, feat_stride, hh, ww):
    shift_y = np.arange(0, hh * feat_stride, feat_stride)
    shift_x = np.arange(0, ww * feat_stride, feat_stride)
    shift_x, shift_y = np.meshgrid(shift_x, shift_y)
    shift = np.stack((shift_y.ravel(), shift_x.ravel(), shift_y.ravel(), shift_x.ravel()), axis=1)
    A = anchor_base.shape[0]
    K = shift.shape[0]
    anchor = anchor_base.reshape((1, A, 4)) + shift.reshape((1, K, 4)).transpose((1, 0, 2))
    return anchor.reshape((K * A, 4)).astype(np.float32)


def conv2d(x, W, b, pad):
    y = jax.lax.conv_general_dilated(
        x, W, window_strides=(1, 1), padding=((pad, pad), (pad, pad)),
        dimension_numbers=('NCHW', 'OIHW', 'NCHW'))
    return y + b[None, :, None, None]


def loc2bbox(anchor, loc):
    src_h = anchor[:, 2] - anchor[:, 0]
    src_w = anchor[:, 3] - anchor[:, 1]
    src_cy = anchor[:, 0] + 0.5 * src_h
    src_cx = anchor[:, 1] + 0.5 * src_w
    dy, dx, dh, dw = loc[:, 0], loc[:, 1], loc[:, 2], loc[:, 3]
    cy = dy * src_h + src_cy
    cx = dx * src_w + src_cx
    h = jnp.exp(dh) * src_h
    w = jnp.exp(dw) * src_w
    return jnp.stack([cy - 0.5 * h, cx - 0.5 * w, cy + 0.5 * h, cx + 0.5 * w], axis=1)


def pairwise_iou(b):
    tl = jnp.maximum(b[:, None, :2], b[None, :, :2])
    br = jnp.minimum(b[:, None, 2:], b[None, :, 2:])
    wh = jnp.clip(br - tl, 0.0)
    inter = wh[..., 0] * wh[..., 1]
    area = (b[:, 2] - b[:, 0]) * (b[:, 3] - b[:, 1])
    return inter / (area[:, None] + area[None, :] - inter + 1e-9)


def nms_keep(boxes, thresh):
    n = boxes.shape[0]
    ious = pairwise_iou(boxes)
    keep0 = jnp.zeros((n,), dtype=bool)
    sup0 = jnp.zeros((n,), dtype=bool)
    def body(i, state):
        keep, sup = state
        valid = jnp.logical_not(sup[i])
        keep = keep.at[i].set(valid)
        mask = jnp.logical_and(valid, ious[i] > thresh)
        mask = mask.at[i].set(False)
        return keep, jnp.logical_or(sup, mask)
    keep, _ = jax.lax.fori_loop(0, n, body, (keep0, sup0))
    return keep


def proposal_layer(loc, fg_score, anchor, img_size):
    img_size = img_size.astype(jnp.float32)
    roi = loc2bbox(anchor, loc)
    roi = jnp.stack([
        jnp.clip(roi[:, 0], 0.0, img_size[0]),
        jnp.clip(roi[:, 1], 0.0, img_size[1]),
        jnp.clip(roi[:, 2], 0.0, img_size[0]),
        jnp.clip(roi[:, 3], 0.0, img_size[1]),
    ], axis=1)
    hs = roi[:, 2] - roi[:, 0]
    ws = roi[:, 3] - roi[:, 1]
    valid = jnp.logical_and(hs >= MIN_SIZE, ws >= MIN_SIZE)
    score = jnp.where(valid, fg_score, -jnp.inf)
    top_scores, order = jax.lax.top_k(score, N_PRE)
    roi = roi[order]
    keep = nms_keep(roi, NMS_T)
    kept_scores = jnp.where(keep, top_scores, -jnp.inf)
    _, kidx = jax.lax.top_k(kept_scores, N_POST)
    return roi[kidx]


def setup_inputs(seed: int = 0):
    key = jax.random.key(seed)
    ks = jax.random.split(key, 8)
    x = jax.random.normal(ks[0], (1, IN_C, HH, WW), dtype=jnp.float32)
    W1 = jax.random.normal(ks[1], (MID_C, IN_C, 3, 3), dtype=jnp.float32) * 0.01
    b1 = jnp.zeros((MID_C,), dtype=jnp.float32)
    Ws = jax.random.normal(ks[2], (N_ANCHOR * 2, MID_C, 1, 1), dtype=jnp.float32) * 0.01
    bs = jnp.zeros((N_ANCHOR * 2,), dtype=jnp.float32)
    Wl = jax.random.normal(ks[3], (N_ANCHOR * 4, MID_C, 1, 1), dtype=jnp.float32) * 0.01
    bl = jnp.zeros((N_ANCHOR * 4,), dtype=jnp.float32)
    img_size = jnp.array([IMG_H, IMG_W], dtype=jnp.int32)
    return {"x": x, "W1": W1, "b1": b1, "Ws": Ws, "bs": bs, "Wl": Wl, "bl": bl, "img_size": img_size}


def reference(x, W1, b1, Ws, bs, Wl, bl, img_size):
    n, _, hh, ww = x.shape
    anchor = jnp.asarray(enumerate_shifted_anchor(generate_anchor_base(), FEAT_STRIDE, hh, ww))
    h = jax.nn.relu(conv2d(x, W1, b1, 1))
    rpn_locs = conv2d(h, Wl, bl, 0).transpose(0, 2, 3, 1).reshape(n, -1, 4)
    rpn_scores_raw = conv2d(h, Ws, bs, 0).transpose(0, 2, 3, 1)
    soft = jax.nn.softmax(rpn_scores_raw.reshape(n, hh, ww, N_ANCHOR, 2), axis=4)
    rpn_fg_scores = soft[..., 1].reshape(n, -1)
    rpn_scores = rpn_scores_raw.reshape(n, -1, 2)
    rois_list = []
    idx_list = []
    for i in range(n):
        r = proposal_layer(rpn_locs[i], rpn_fg_scores[i], anchor, img_size)
        rois_list.append(r)
        idx_list.append(i * jnp.ones((r.shape[0],), dtype=jnp.int32))
    rois = jnp.concatenate(rois_list, axis=0)
    roi_indices = jnp.concatenate(idx_list, axis=0)
    return rpn_locs, rpn_scores, rois, roi_indices, anchor

if __name__ == "__main__":
    import jax
    _d = setup_inputs()
    print(jax.jit(kernel)(*tuple(_d.values())))

</pallas_src>

<mosaic_0001>
module attributes {stable_mosaic.version = 14 : i64} {
  func.func @_conv_head_body(%arg0: i32, %arg1: memref<1x2560x512xf32, #tpu.memory_space<vmem>>, %arg2: memref<1x512x512xf32, #tpu.memory_space<vmem>>, %arg3: memref<512x128xf32, #tpu.memory_space<vmem>>, %arg4: memref<1x512xf32, #tpu.memory_space<vmem>>, %arg5: memref<1x128xf32, #tpu.memory_space<vmem>>, %arg6: memref<2560x128xf32, #tpu.memory_space<vmem>>, %arg7: memref<2560x512xf32, #tpu.memory_space<vmem>>) attributes {dimension_semantics = [#tpu.dimension_semantics<arbitrary>], iteration_bounds = array<i64: 9>, scalar_prefetch = 0 : i64, scratch_operands = 1 : i64, tpu.core_type = #tpu.core_type<tc>, window_params = [{transform_indices = @transform_0, window_bounds = array<i64: 1, 2560, 512>}, {transform_indices = @transform_1, window_bounds = array<i64: 1, 512, 512>}, {pipeline_mode = #tpu.pipeline_mode<synchronous>, transform_indices = @transform_2, window_bounds = array<i64: 512, 128>}, {pipeline_mode = #tpu.pipeline_mode<synchronous>, transform_indices = @transform_3, window_bounds = array<i64: 1, 512>}, {pipeline_mode = #tpu.pipeline_mode<synchronous>, transform_indices = @transform_4, window_bounds = array<i64: 1, 128>}, {pipeline_mode = #tpu.pipeline_mode<synchronous>, transform_indices = @transform_5, window_bounds = array<i64: 2560, 128>}]} {
    %eq3A = arith.constant 0 : i32
    %eq3A_0 = arith.cmpi eq, %arg0, %eq3A : i32
    %convert_element_type3A = arith.extui %eq3A_0 : i1 to i32
    %cond3A = arith.constant 0 : i32
    %cond3A_1 = arith.cmpi ne, %convert_element_type3A, %cond3A : i32
    scf.if %cond3A_1 {
      %broadcast_in_dim3A = arith.constant 0.000000e+00 : f32
      %broadcast_in_dim3A_22 = vector.broadcast %broadcast_in_dim3A : f32 to vector<2560x512xf32>
      %swap3A_23 = arith.constant 0 : index
      %swap3A_24 = arith.constant 0 : index
      %swap3A_25 = vector.load %arg7[%swap3A_23, %swap3A_24] : memref<2560x512xf32, #tpu.memory_space<vmem>>, vector<2560x512xf32>
      tpu.vector_store %arg7[%swap3A_23, %swap3A_24], %broadcast_in_dim3A_22 {strides = array<i32>} : memref<2560x512xf32, #tpu.memory_space<vmem>>, vector<2560x512xf32>,
    } else {
    }
    %get3A = arith.constant 0 : index
    %get3A_2 = arith.constant 0 : index
    %get3A_3 = vector.load %arg7[%get3A, %get3A_2] : memref<2560x512xf32, #tpu.memory_space<vmem>>, vector<2560x512xf32>
    %get3A_4 = arith.constant 0 : index
    %get3A_5 = arith.constant 0 : index
    %get3A_6 = arith.constant 0 : index
    %get3A_7 = vector.load %arg1[%get3A_4, %get3A_5, %get3A_6] : memref<1x2560x512xf32, #tpu.memory_space<vmem>>, vector<1x2560x512xf32>
    %get3A_8 = vector.shape_cast %get3A_7 : vector<1x2560x512xf32> to vector<2560x512xf32>
    %get3A_9 = arith.constant 0 : index
    %get3A_10 = arith.constant 0 : index
    %get3A_11 = arith.constant 0 : index
    %get3A_12 = vector.load %arg2[%get3A_9, %get3A_10, %get3A_11] : memref<1x512x512xf32, #tpu.memory_space<vmem>>, vector<1x512x512xf32>
    %get3A_13 = vector.shape_cast %get3A_12 : vector<1x512x512xf32> to vector<512x512xf32>
    %dot_general3A = arith.constant dense<0.000000e+00> : vector<2560x512xf32>
    %dot_general3A_14 = tpu.matmul %get3A_8, %get3A_13, %dot_general3A {dimension_numbers = #tpu.dot_dimension_numbers<[1], [0], [0], [1], [0, 0, 1, 1], [], []>, transpose_lhs_hint = false} : vector<2560x512xf32>, vector<512x512xf32>, vector<2560x512xf32> -> vector<2560x512xf32>
    %add3A = arith.addf %get3A_3, %dot_general3A_14 : vector<2560x512xf32>
    %swap3A = arith.constant 0 : index
    %swap3A_15 = arith.constant 0 : index
    %swap3A_16 = vector.load %arg7[%swap3A, %swap3A_15] : memref<2560x512xf32, #tpu.memory_space<vmem>>, vector<2560x512xf32>
    tpu.vector_store %arg7[%swap3A, %swap3A_15], %add3A {strides = array<i32>} : memref<2560x512xf32, #tpu.memory_space<vmem>>, vector<2560x512xf32>,
    %eq3A_17 = arith.constant 8 : i32
    %eq3A_18 = arith.cmpi eq, %arg0, %eq3A_17 : i32
    %convert_element_type3A_19 = arith.extui %eq3A_18 : i1 to i32
    %cond3A_20 = arith.constant 0 : i32
    %cond3A_21 = arith.cmpi ne, %convert_element_type3A_19, %cond3A_20 : i32
    scf.if %cond3A_21 {
      %get3A_22 = arith.constant 0 : index
      %get3A_23 = arith.constant 0 : index
      %get3A_24 = vector.load %arg7[%get3A_22, %get3A_23] : memref<2560x512xf32, #tpu.memory_space<vmem>>, vector<2560x512xf32>
      %get3A_25 = arith.constant 0 : index
      %get3A_26 = arith.constant 0 : index
      %get3A_27 = vector.load %arg4[%get3A_25, %get3A_26] : memref<1x512xf32, #tpu.memory_space<vmem>>, vector<1x512xf32>
      %add3A_28 = vector.broadcast %get3A_27 : vector<1x512xf32> to vector<2560x512xf32>
      %add3A_29 = arith.addf %get3A_24, %add3A_28 : vector<2560x512xf32>
      %max3A = arith.constant 0.000000e+00 : f32
      %max3A_30 = vector.broadcast %max3A : f32 to vector<2560x512xf32>
      %max3A_31 = arith.maximumf %add3A_29, %max3A_30 : vector<2560x512xf32>
      %get3A_32 = arith.constant 0 : index
      %get3A_33 = arith.constant 0 : index
      %get3A_34 = vector.load %arg3[%get3A_32, %get3A_33] : memref<512x128xf32, #tpu.memory_space<vmem>>, vector<512x128xf32>
      %dot_general3A_35 = arith.constant dense<0.000000e+00> : vector<2560x128xf32>
      %dot_general3A_36 = tpu.matmul %max3A_31, %get3A_34, %dot_general3A_35 {dimension_numbers = #tpu.dot_dimension_numbers<[1], [0], [0], [1], [0, 0, 1, 1], [], []>, transpose_lhs_hint = false} : vector<2560x512xf32>, vector<512x128xf32>, vector<2560x128xf32> -> vector<2560x128xf32>
      %get3A_37 = arith.constant 0 : index
      %get3A_38 = arith.constant 0 : index
      %get3A_39 = vector.load %arg5[%get3A_37, %get3A_38] : memref<1x128xf32, #tpu.memory_space<vmem>>, vector<1x128xf32>
      %add3A_40 = vector.broadcast %get3A_39 : vector<1x128xf32> to vector<2560x128xf32>
      %add3A_41 = arith.addf %dot_general3A_36, %add3A_40 : vector<2560x128xf32>
      %swap3A_42 = arith.constant 0 : index
      %swap3A_43 = arith.constant 0 : index
      %swap3A_44 = vector.load %arg6[%swap3A_42, %swap3A_43] : memref<2560x128xf32, #tpu.memory_space<vmem>>, vector<2560x128xf32>
      tpu.vector_store %arg6[%swap3A_42, %swap3A_43], %add3A_41 {strides = array<i32>} : memref<2560x128xf32, #tpu.memory_space<vmem>>, vector<2560x128xf32>,
    } else {
    }
    return
  }
  func.func @transform_0(%arg0: i32) -> (i32, i32, i32) {
    %c0_i32 = arith.constant 0 : i32
    %c0_i32_0 = arith.constant 0 : i32
    %c0_i32_1 = arith.constant 0 : i32
    return %arg0, %c0_i32, %c0_i32_0 : i32, i32, i32
  }
  func.func @transform_1(%arg0: i32) -> (i32, i32, i32) {
    %c0_i32 = arith.constant 0 : i32
    %c0_i32_0 = arith.constant 0 : i32
    %c0_i32_1 = arith.constant 0 : i32
    return %arg0, %c0_i32, %c0_i32_0 : i32, i32, i32
  }
  func.func @transform_2(%arg0: i32) -> (i32, i32) {
    %c0_i32 = arith.constant 0 : i32
    %c0_i32_0 = arith.constant 0 : i32
    %c0_i32_1 = arith.constant 0 : i32
    return %c0_i32, %c0_i32_0 : i32, i32
  }
  func.func @transform_3(%arg0: i32) -> (i32, i32) {
    %c0_i32 = arith.constant 0 : i32
    %c0_i32_0 = arith.constant 0 : i32
    %c0_i32_1 = arith.constant 0 : i32
    return %c0_i32, %c0_i32_0 : i32, i32
  }
  func.func @transform_4(%arg0: i32) -> (i32, i32) {
    %c0_i32 = arith.constant 0 : i32
    %c0_i32_0 = arith.constant 0 : i32
    %c0_i32_1 = arith.constant 0 : i32
    return %c0_i32, %c0_i32_0 : i32, i32
  }
  func.func @transform_5(%arg0: i32) -> (i32, i32) {
    %c0_i32 = arith.constant 0 : i32
    %c0_i32_0 = arith.constant 0 : i32
    %c0_i32_1 = arith.constant 0 : i32
    return %c0_i32, %c0_i32_0 : i32, i32
  }
}

</mosaic_0001>

<sc_bundles>
// kernel: gather_offload_async_start
scs
__scs_entry_jumppad:
0x0: {  	(pc) =	sbr.rel $0x88, $3  }
0x1: {  	(tag) =	ssettag $0x0;
	lr =	simm.s32 $0x1  }
0x2: {  	[smem:$0x3F99] =	sst lr;
	_ =	strace $0xD0000000  }
0x3: {  	_ = 	snop  }
0x4: {  	_ = 	snop  }
0x5: {  	_ = 	snop  }
0x6: {  	_ = 	snop  }
0x7: {  	_ = 	snop  }
__scs_overlays_trampoline_lowered:
0x8: {  	[smem:$0x3FA8] =	sst s0  }
0x9: {  	[smem:$0x3FA9] =	sst s1  }
0xa: {  	[smem:$0x3FAA] =	sst s2  }
0xb: {  	[smem:$0x3FAB] =	sst s3  }
0xc: {  	[smem:$0x3FAC] =	sst s4  }
0xd: {  	[smem:$0x3FAD] =	sst s5  }
0xe: {  	[smem:$0x3FAE] =	sst s6  }
0xf: {  	[smem:$0x3FAF] =	sst s7  }
0x10: {  	[smem:$0x3FB0] =	sst s8  }
0x11: {  	[smem:$0x3FB1] =	sst s9;
	s0 =	simm.s32 @!p0 $0x0  }
0x12: {  	s1 =	sld [smem:$0x3F97];
	s0 =	simm.s32 @p0 $0x1  }
0x13: {  	[smem:$0x3FB2] =	sst s0;
	s0 =	simm.s32 @!p1 $0x0  }
0x14: {  	s2 =	sld [smem:$0x3F96];
	s0 =	simm.s32 @p1 $0x1  }
0x15: {  	[smem:$0x3FB3] =	sst s0;
	s0 =	simm.s32 @!p2 $0x0  }
0x16: {  	s3 =	sld [smem:$0x3FDB];
	s0 =	simm.s32 @p2 $0x1  }
0x17: {  	s4 =	simm.s32 $0x1BF5;
	[smem:$0x3FB5] =	sst s0  }
0x18: {  	s0 =	sld [smem:$0x3F98];
	_ =	swait.ge [sflag:s4], $0x0  }
0x19: {  	s7 =	sld [smem:$0x3F99]  }
0x1a: {  	s8 =	sadd.s32 $0xFFFFE003, lr  }
0x1b: {  	s9 =	sadd.s32 $0xFFFFFEF7, lr;
	s5 =	simm.s32 $0xFFFFFFFF;
	p2 =	slt.u32 s8, $0xFFFFF086  }
0x1c: {  	p1 =	slt.u32 s9, $0xF7A;
	s5 =	simm.s32 @!p2 $0x0  }
0x1d: {  	s5 =	simm.s32 @p1 $0x1;
	p0 =	seq.s32 s7, s2  }
0x1e: {  	s7 =	smul.u32 @!p0 $0xF7A, s2;
	p2 =	seq.s32 @!p0 s5, $0x0  }
0x1f: {  	s9 =	smul.u32 $0xF7A, s1;
	s8 =	simm.s32 @!p0 $0x1BF5;
	p2 =	por !p2, p0  }
0x20: {  	[sflag:s8] =	ssyncset.s32 @!p0 $0xFFFFF086;
	s6 =	sadd.s32 @!p0 s3, s7;
	s7 =	simm.s32 @!p0 $0x108  }
0x21: {  	s3 =	sadd.s32 s3, s9;
	s6 =	sadd.s32 @!p0 $0x88, s6;
	s7 =	simm.s32 @p2 $0x1082  }
0x22: {  	[simem:s7], [sflag:s8] =	dma.local @!p0 [hbm:s6], $0xF7A  }
0x23: {  	s9 =	sor.u32 $0xD0000000, s2;
	s6 =	simm.s32 $0x108;
	_ =	swait.ge @!p0 [sflag:s8], $0x0  }
0x24: {  	s3 =	sadd.s32 $0x88, s3;
	s6 =	simm.s32 @!p1 $0x1082;
	[sflag:s4] =	ssyncset.s32 $0xFFFFF086  }
0x25: {  	[simem:s6], [sflag:s4] =	dma.local [hbm:s3], $0xF7A  }
0x26: {  	[smem:$0x3F99] =	sst s1;
	(tag) =	ssettag s2;
	_ =	strace s9  }
0x27: {  	s1 =	sld [smem:$0x3FA9]  }
0x28: {  	s2 =	sld [smem:$0x3FAA]  }
0x29: {  	s4 =	sld [smem:$0x3FAC]  }
0x2a: {  	p0 =	seq.s32 s5, $0x0;
	s5 =	sld [smem:$0x3FAD]  }
0x2b: {  	s6 =	sld [smem:$0x3FAE]  }
0x2c: {  	s7 =	sld [smem:$0x3FAF]  }
0x2d: {  	s3 =	simm.s32 $0x108;
	s8 =	sld [smem:$0x3FB0]  }
0x2e: {  	s3 =	simm.s32 @!p0 $0x1082;
	s9 =	sld [smem:$0x3FB1]  }
0x2f: {  	lr =	sadd.s32 s0, s3;
	s0 =	sld [smem:$0x3FA8]  }
0x30: {  	s3 =	sld [smem:$0x3FAB]  }
0x31: {  	[smem:$0x3FB4] =	sst s10  }
0x32: {  	s10 =	sld [smem:$0x3FB2];
	_ =	sdelay $0x3  }
0x33: {  	p0 =	seq.s32 s10, $0x1;
	s10 =	sld [smem:$0x3FB4];
	_ =	sdelay $0x3  }
0x34: {  	[smem:$0x3FB4] =	sst s10  }
0x35: {  	s10 =	sld [smem:$0x3FB3];
	_ =	sdelay $0x3  }
0x36: {  	p1 =	seq.s32 s10, $0x1;
	s10 =	sld [smem:$0x3FB4];
	_ =	sdelay $0x3  }
0x37: {  	[smem:$0x3FB4] =	sst s10  }
0x38: {  	s10 =	sld [smem:$0x3FB5]  }
0x39: {  	_ = 	snop;
	(pc) =	sbr.ind lr, $3  }
0x3a: {  	_ = 	snop  }
0x3b: {  	_ = 	snop  }
0x3c: {  	p2 =	seq.s32 s10, $0x1;
	s10 =	sld [smem:$0x3FB4]  }
0x3d: {  	_ =	shalt  }
0x3e: {  	_ =	shalt  }
0x3f: {  	_ =	shalt  }
0x40: {  	_ =	shalt  }
0x41: {  	_ =	shalt  }
0x42: {  	_ =	shalt  }
0x43: {  	_ =	shalt  }
0x44: {  	_ =	shalt  }
0x45: {  	_ =	shalt  }
0x46: {  	_ =	shalt  }
0x47: {  	_ =	shalt  }
0x48: {  	_ =	shalt  }
0x49: {  	_ =	shalt  }
0x4a: {  	_ =	shalt  }
0x4b: {  	_ =	shalt  }
0x4c: {  	_ =	shalt  }
0x4d: {  	_ =	shalt  }
0x4e: {  	_ =	shalt  }
0x4f: {  	_ =	shalt  }
0x50: {  	_ =	shalt  }
0x51: {  	_ =	shalt  }
0x52: {  	_ =	shalt  }
0x53: {  	_ =	shalt  }
0x54: {  	_ =	shalt  }
0x55: {  	_ =	shalt  }
0x56: {  	_ =	shalt  }
0x57: {  	_ =	shalt  }
0x58: {  	_ =	shalt  }
0x59: {  	_ =	shalt  }
0x5a: {  	_ =	shalt  }
0x5b: {  	_ =	shalt  }
0x5c: {  	_ =	shalt  }
0x5d: {  	_ =	shalt  }
0x5e: {  	_ =	shalt  }
0x5f: {  	_ =	shalt  }
0x60: {  	_ =	shalt  }
0x61: {  	_ =	shalt  }
0x62: {  	_ =	shalt  }
0x63: {  	_ =	shalt  }
0x64: {  	_ =	shalt  }
0x65: {  	_ =	shalt  }
0x66: {  	_ =	shalt  }
0x67: {  	_ =	shalt  }
0x68: {  	_ =	shalt  }
0x69: {  	_ =	shalt  }
0x6a: {  	_ =	shalt  }
0x6b: {  	_ =	shalt  }
0x6c: {  	_ =	shalt  }
0x6d: {  	_ =	shalt  }
0x6e: {  	_ =	shalt  }
0x6f: {  	_ =	shalt  }
0x70: {  	_ =	shalt  }
0x71: {  	_ =	shalt  }
0x72: {  	_ =	shalt  }
0x73: {  	_ =	shalt  }
0x74: {  	_ =	shalt  }
0x75: {  	_ =	shalt  }
0x76: {  	_ =	shalt  }
0x77: {  	_ =	shalt  }
0x78: {  	_ =	shalt  }
0x79: {  	_ =	shalt  }
0x7a: {  	_ =	shalt  }
0x7b: {  	_ =	shalt  }
0x7c: {  	_ =	shalt  }
0x7d: {  	_ =	shalt  }
0x7e: {  	_ =	shalt  }
0x7f: {  	_ =	shalt  }
0x80: {  	_ =	shalt  }
0x81: {  	_ =	shalt  }
0x82: {  	_ =	shalt  }
0x83: {  	_ =	shalt  }
0x84: {  	_ =	shalt  }
0x85: {  	_ =	shalt  }
0x86: {  	_ =	shalt  }
0x87: {  	_ =	shalt  }
.Lfunc_end0:
.L_simem_size_0:
called_computation_lowered:
.L_overlay_start_0:
0x88: {  	s0 =	sld [smem:$0x3FD9]  }
0x89: {  	s1 =	sld [smem:$0x3FFE];
	_ =	sdelay $0x3  }
0x8a: {  	s0 =	sadd.s32 s1, s0  }
0x8b: {  	[smem:$0x3FC0] =	sst s0  }
0x8c: {  	_ = 	snop  }
0x8d: {  	s0 =	sld [smem:$0x3FD0];
	_ =	sdelay $0x2  }
0x8e: {  	s13 =	simm.s32 $0xA;
	s2 =	simm.s32 $0x10  }
0x8f: {  	[smem:s2], [sflag:s13] =	dma.local [hbm:s0], $0x1  }
0x90: {  	_ =	swait.eq [sflag:s13], $0x1  }
0x91: {  	[sflag:s13] =	ssyncset.done $0x0  }
0x92: {  	[sflag:s13] =	ssyncadd.s32 $0xFFFFFFFF  }
0x93: {  	s14 =	sld [smem:$0x14];
	(tm) =	ssettm $0x1  }
0x94: {  	s15 =	sld [smem:$0x3FFB];
	_ =	sdelay $0x3  }
0x95: {  	_ =	strace s15  }
0x96: {  	s1 =	sld [smem:$0x3FFC];
	_ =	sdelay $0x3  }
0x97: {  	_ =	strace s1  }
0x98: {  	s1 =	sld [smem:$0x3FFD];
	_ =	sdelay $0x3  }
0x99: {  	_ =	strace s1  }
0x9a: {  	_ =	strace $0x8FFFFFFF  }
0x9b: {  	s16 =	sld [smem:$0x3FDB];
	_ =	sdelay $0x1  }
0x9c: {  	s17 =	simm.s32 $_scs_section_size  }
0x9d: {  	s3 =	simm.s32 $_size__tile_overlayer_lowered;
	s4 =	simm.s32 $_tile_overlayer_lowered  }
0x9e: {  	s20 =	simm.s32 $0x1BFF;
	s19 =	sshll.u32 s4, $0x1;
	s1 =	sadd.s32 s17, s16  }
0x9f: {  	s5 =	simm.s32 $0x0;
	s18 =	sshll.u32 s3, $0x1;
	s3 =	sadd.s32 s19, s1  }
0xa0: {  	[timem:s5], [sflag:s20] =	dma.local [hbm:s3], s18  }
0xa1: {  	_ =	swait.ge [sflag:s20], s18  }
0xa2: {  	s2 =	ssub.s32 $0x0, s18;
	[sflag:s20] =	ssyncset.done $0x0  }
0xa3: {  	[sflag:s20] =	ssyncadd.s32 s2;
	_ =	sdelay $0x1  }
0xa4: {  	s21 =	simm.s32 $0x1B8B  }
0xa5: {  	_ =	swait.ge [sflag:s21], $0x1  }
0xa6: {  	[sflag:s21] =	ssyncset.done $0x0  }
0xa7: {  	s23 =	simm.s32 $0x1B8E;
	s22 =	sld [smem:$0x3FFE];
	[sflag:s21] =	ssyncadd.s32 $0xFFFFFFFF  }
0xa8: {  	s24 =	simm.s32 $execute0_lowered;
	[smem:$0x3FD2] =	sst s23  }
0xa9: {  	s3 =	sshll.u32 s24, $0x1;
	_ =	strace $0x80000046;
	[dreg:$0x1] =	wrdreg $0xFFFFFFFF  }
0xaa: {  	s25 =	simm.s32 $_size_execute0_lowered;
	s1 =	sadd.s32 s1, s3;
	[dreg:$0x0] =	wrdreg $0x0  }
0xab: {  	s3 =	sshll.u32 s25, $0x1;
	[dreg:$0x2] =	wrdreg s1  }
0xac: {  	[dreg:$0x3] =	wrdreg s3  }
0xad: {  	[dreg:$0x4] =	wrdreg $0xC0  }
0xae: {  	_ =	task [dreg:s5], $0x5FFFF  }
0xaf: {  	[dreg:$0x1] =	wrdreg $0xFFFFFFFF  }
0xb0: {  	[dreg:$0x0] =	wrdreg $0x60  }
0xb1: {  	[dreg:$0x2] =	wrdreg s22  }
0xb2: {  	[dreg:$0x3] =	wrdreg s14  }
0xb3: {  	[dreg:$0x4] =	wrdreg $0x9  }
0xb4: {  	_ =	task.clear_ibuf [dreg:s5], $0x5FFFF;
	_ =	strace $0x90000046  }
0xb5: {  	s26 =	simm.s32 $0x9;
	_ =	strace $0x80000048  }
0xb6: {  	_ =	swait.ge [sflag:s26], $0x1  }
0xb7: {  	[sflag:s26] =	ssyncadd.s32 $0xFFFFFFFF  }
0xb8: {  	_ =	strace $0x90000048  }
0xb9: {  	_ =	sfence  }
0xba: {  	s28 =	sld [smem:$0x0];
	_ =	sdelay $0x1  }
0xbb: {  	s29 =	srdreg.scid  }
0xbc: {  	s30 =	sshll.u32 s29, $0xD;
	s31 =	sshrl.u32 s29, $0x2  }
0xbd: {  	s2 =	sand.u32 $0x4000, s30;
	s1 =	sand.u32 $0x1, s29;
	s0 =	sadd.s32 s31, s28  }
0xbe: {  	s1 =	sor.u32 s2, s1;
	s0 =	sshll.u32 s0, $0x11  }
0xbf: {  	s0 =	sor.u32 s0, s1  }
0xc0: {  	s0 =	sadd.s32 $0x8F2B, s0  }
0xc1: {  	[sflag:s0] =	ssyncadd.remote.s32 $0x1  }
0xc2: {  	_ =	sfence.sel $0xFFFF  }
0xc3: {  	[dreg:$0x0] =	wrdreg $0xFFFFFFFF;
	(pc) =	sbr.abs _section_cstart, $3  }
0xc4: {  	[dreg:$0x1] =	wrdreg $0xFFFFFFFF  }
0xc5: {  	_ =	task.clear_ibuf [dreg:s5], $0x2FFFF;
	_ =	strace $0x9FFFFFFF  }
0xc6: {  	(tm) =	ssettm $0x7FFFFFFF  }
0xc7: {  	_ =	shalt  }
tec
execute0_lowered:
.L_overlay_start_1:
0x0: {  	(tag) =	ssettag $0x1  }
0x1: {  	s0 =	stileid.u32  }
0x2: {  	s1 =	smin.u32 s0, $0x9  }
0x3: {  	s1 =	sadd.s32 s0, s1  }
0x4: {  	s2 =	simm.s32 $0xA0;
	p0 =	slt.u32 s0, $0x9;
	s1 =	smul.u32 $0x50, s1  }
0x5: {  	s2 =	simm.s32 @!p0 $0x50  }
0x6: {  	s2 =	sadd.s32 s2, s1  }
0x7: {  	s3 =	smin.u32 s2, $0x7D0  }
0x8: {  	s7 =	ssub.s32 s3, s1  }
0x9: {  	p0 =	sgt.s32 s7, $0x0  }
0xa: {  	s7 =	simm.s32 @!p0 $0x0  }
0xb: {  	s9 =	rddreg [dreg:$0x0];
	s31 =	smul.u32 $0xCCCD, s7  }
0xc: {  	s4 =	rddreg [dreg:$0x1];
	s6 =	simm.s32 $0x1  }
0xd: {  	s11 =	simm.s32 $0x3;
	s13 =	simm.s32 $0x0;
	s8 =	sshrl.u32 s31, $0x16  }
0xe: {  	s12 =	simm.s32 $0x0;
	s5 =	sadd.s32 $0x800, s9;
	s10 =	smul.u32 $0x50, s8  }
.Ltmp0:
0xf: {  	s9 =	sadd.s32 $0x58800, s9;
	s2 =	rddreg [dreg:$0x2];
	(pc) =	sbr.rel .LBB2_1-.Ltmp0, $4  }
0x10: {  	_ =	strace $0x80000047;
	p0 =	sne.s32 s7, s10;
	s10 =	simm.s32 $0x1  }
0x11: {  	[sflag:s6] =	ssyncpa.u1 $0x0;
	s7 =	simm.s32 $0x2;
	s10 =	simm.s32 @!p0 $0x0  }
0x12: {  	[sflag:s7] =	ssyncpa.u1 $0x0;
	p0 =	por $0x0, $0x0;
	s8 =	sadd.s32 s8, s10  }
0x13: {  	vm0 =	vmmov $0xff;
	vm1 =	vcmask $0x3F20;
	[sflag:s11] =	ssyncpa.u1 $0x0;
	s11 =	smov.u32 s1;
	s10 =	sadd.s32 $0x1, s8  }
.LBB2_6:
0x14: {  	[hbm:s17] =	stream.linear.scatter [tilespmem:s14], [sflag:$0x3], $0x400, $0x38;
	[tilespmem:$0x50A0] =	vst v63  }
.LBB2_7:
0x15: {  	s13 =	sadd.s32 $0x50, s11  }
0x16: {  	s15 =	smov.u32 s1;
	p2 =	slt.s32 s13, s3  }
0x17: {  	s15 =	smov.u32 @p2 s13;
	p2 =	sne.s32 s12, s10  }
.Ltmp1:
0x18: {  	p1 =	slt.u32 s12, $0x2;
	(pc) =	sbr.rel @!p2 .LBB2_8-.Ltmp1, $4  }
0x19: {  	s14 =	simm.s32 @!p1 $0x3  }
0x1a: {  	s16 =	sadd.s32 $0x1, s12;
	_ =	swait.ge @!p1 [sflag:s14], $0x2800  }
0x1b: {  	p0 =	por !p0, !p0;
	s13 =	smov.u32 s11;
	[sflag:s14] =	ssyncset.done @!p1 $0x0  }
0x1c: {  	s12 =	smov.u32 s16;
	s11 =	smov.u32 s15;
	[sflag:s14] =	ssyncadd.s32 @!p1 $0xFFFFD800  }
.LBB2_1:
0x1d: {  	p1 =	sge.u32 s12, s8  }
0x1e: {  	s14 =	sxor.u32 @!p1 $0xFFFFFFFF, s12  }
0x1f: {  	s14 =	sand.u32 @!p1 $0x1, s14  }
0x20: {  	s14 =	smul.u32 @!p1 $0x140, s14  }
0x21: {  	s31 =	sadd.s32 $0xFFFFFFFF, s12;
	s15 =	sshrl.u32 @!p1 s11, $0x3  }
0x22: {  	s16 =	sand.u32 @!p1 $0x7, s11;
	s15 =	sadd.s32 @!p1 s4, s15;
	s14 =	sshrl.u32 @!p1 s14, $0x2  }
0x23: {  	[tilespmem:s14], [sflag:$0x2] =	stream.linear.gather @!p1 [hbm4b:s15+s16], $0x50, $0x38;
	[tilespmem:$0x50A0] =	vst v63  }
0x24: {  	p1 =	sge.u32 s31, s8  }
.Ltmp2:
0x25: {  	_ = 	snop;
	(pc) =	sbr.rel @p1 .LBB2_7-.Ltmp2, $1  }
0x26: {  	_ =	sdelay $0x3  }
0x27: {  	s14 =	simm.s32 $0x1  }
0x28: {  	s14 =	simm.s32 @!p0 $0x0  }
0x29: {  	s15 =	smul.u32 $0x140, s14  }
0x2a: {  	_ =	swait.ge [sflag:s7], $0x50  }
0x2b: {  	[sflag:s7] =	ssyncset.done $0x0;
	s16 =	sshrl.u32 s15, $0x2  }
0x2c: {  	[sflag:s7] =	ssyncadd.s32 $0xFFFFFFB0;
	s15 =	sadd.s32 $0x0, s16  }
0x2d: {  	v0 =	vld.msk [tilespmem:s15+$0x0 ss:$0x1], $0xffff;
	_ =	sdelay $0x4  }
0x2e: {  	vm2 =	vgt.s32 v0, $0x0  }
0x2f: {  	v0 =	vnsel vm2, $0x0, v0  }
0x30: {  	v0 =	vmin.u32 v0, $0x57E3  }
0x31: {  	v0 =	vshll.u32 v0, $0x4  }
0x32: {  	s14 =	smul.u32 $0xA000, s14;
	_ =	sdelay $0x1  }
0x33: {  	s14 =	sshrl.u32 s14, $0x2  }
0x34: {  	s14 =	sor.u32 $0xA0, s14  }
0x35: {  	[tilespmem:s14], [sflag:$0x1] =	stream.indirect_vreg.gather [hbm:s5], $0x80, v0, vm0, $0x38;
	[tilespmem:$0x50A0] =	vst v63  }
0x36: {  	s17 =	sadd.s32 $0x10, s16;
	s15 =	sadd.s32 $0x400, s14  }
0x37: {  	[tilespmem:s15], [sflag:$0x1] =	stream.indirect_vreg.gather [hbm:s5], $0x80, v0, vm1, $0x38;
	[tilespmem:$0x50A0] =	vst v63  }
0x38: {  	s18 =	simm.s32 $0x80;
	v0 =	vld.msk [tilespmem:s17+$0x0 ss:$0x1], $0xffff;
	s17 =	smov.u32 s14  }
.LBB2_3:
0x39: {  	p1 =	sne.s32 s18, $0x100;
	_ =	sdelay $0x4  }
0x3a: {  	vm2 =	vgt.s32 v0, $0x0  }
0x3b: {  	v0 =	vnsel vm2, $0x0, v0  }
0x3c: {  	v0 =	vmin.u32 v0, $0x57E3  }
0x3d: {  	v0 =	vshll.u32 v0, $0x4;
	_ =	sdelay $0x3  }
.Ltmp3:
0x3e: {  	s19 =	sshra.s32 s18, $0x2;
	s17 =	sadd.s32 $0x800, s17;
	(pc) =	sbr.rel @p1 .LBB2_3-.Ltmp3, $4  }
0x3f: {  	[tilespmem:s17], [sflag:$0x1] =	stream.indirect_vreg.gather [hbm:s5], $0x80, v0, vm0, $0x38;
	[tilespmem:$0x50A0] =	vst v63  }
0x40: {  	s19 =	sadd.s32 s19, s16;
	s20 =	sadd.s32 $0x400, s17  }
0x41: {  	[tilespmem:s20], [sflag:$0x1] =	stream.indirect_vreg.gather [hbm:s5], $0x80, v0, vm1, $0x38;
	[tilespmem:$0x50A0] =	vst v63  }
0x42: {  	s18 =	sadd.s32 $0x40, s18;
	v0 =	vld.msk [tilespmem:s19+$0x0 ss:$0x1], $0xffff  }
0x43: {  	_ =	sdelay $0x3  }
0x44: {  	vm2 =	vgt.s32 v0, $0x0  }
0x45: {  	v0 =	vnsel vm2, $0x0, v0  }
0x46: {  	v0 =	vmin.u32 v0, $0x57E3  }
0x47: {  	v0 =	vshll.u32 v0, $0x4;
	_ =	sdelay $0x3  }
0x48: {  	s16 =	sadd.s32 $0x800, s17  }
0x49: {  	[tilespmem:s16], [sflag:$0x1] =	stream.indirect_vreg.gather [hbm:s5], $0x80, v0, vm0, $0x38;
	[tilespmem:$0x50A0] =	vst v63  }
0x4a: {  	s16 =	sadd.s32 $0x400, s16  }
0x4b: {  	[tilespmem:s16], [sflag:$0x1] =	stream.indirect_vreg.gather [hbm:s5], $0x80, v0, vm1, $0x38;
	[tilespmem:$0x50A0] =	vst v63  }
0x4c: {  	s13 =	sshll.u32 s13, $0x4;
	_ =	swait.ge [sflag:s6], $0x2800  }
0x4d: {  	s13 =	sadd.s32 s13, s9;
	[sflag:s6] =	ssyncset.done $0x0  }
0x4e: {  	s17 =	sadd.s32 $0x0, s13;
	s16 =	simm.s32 $0x80;
	[sflag:s6] =	ssyncadd.s32 $0xFFFFD800  }
.LBB2_5:
0x4f: {  	[hbm:s17] =	stream.linear.scatter [tilespmem:s14], [sflag:$0x3], $0x400, $0x38;
	[tilespmem:$0x50A0] =	vst v63  }
0x50: {  	s17 =	smov.u32 s16;
	s14 =	smov.u32 s15;
	p1 =	sne.s32 s16, $0x480  }
.Ltmp4:
0x51: {  	s16 =	sadd.s32 $0x80, s16;
	(pc) =	sbr.rel @p1 .LBB2_5-.Ltmp4, $2  }
0x52: {  	_ =	sdelay $0x2  }
0x53: {  	s15 =	sadd.s32 $0x400, s15;
	s17 =	sadd.s32 s17, s13  }
.Ltmp5:
0x54: {  	_ = 	snop;
	(pc) =	sbr.rel .LBB2_6-.Ltmp5, $1  }
0x55: {  	_ =	sdelay $0x3  }
.LBB2_8:
0x56: {  	_ =	sfence.sel $0x180000  }
0x57: {  	s1 =	simm.s32 $0x2;
	[bflag:$0x0] =	sbarrier.arrive $0xFFFF  }
0x58: {  	s30 =	simm.s32 $0x3;
	[sflag:s1] =	ssyncpa.u1 $0x1  }
0x59: {  	s31 =	simm.s32 $0x1;
	[sflag:s30] =	ssyncpa.u1 $0x1  }
0x5a: {  	[sflag:s31] =	ssyncpa.u1 $0x1  }
0x5b: {  	p0 =	sne.s32 s0, $0x0;
	_ =	strace $0x90000047  }
0x5c: {  	s0 =	sadd.s32 @!p0 $0x100000, s2;
	[bflag:$0x2] =	sbarrier.arrive $0xFFFF  }
0x5d: {  	[sflag:s0] =	ssyncadd.tile.s32 @!p0 $0x1;
	_ =	shalt  }
.Lfunc_end2:
_tile_overlayer_lowered:
.L_overlay_start_2:
0x5e: {  	(tag) =	ssettag $0x2  }
0x5f: {  	s0 =	rddreg [dreg:$0x0];
	s2 =	stileid.u32  }
0x60: {  	s1 =	rddreg [dreg:$0x1];
	p0 =	sne.s32 s2, $0x0  }
0x61: {  	s3 =	rddreg [dreg:$0x2];
	[bflag:$0x3] =	sbarrier.arrive $0xFFFF;
	s2 =	simm.s32 @!p0 $0x1C01  }
0x62: {  	[timem:s3], [sflag:s2] =	dma.local @!p0 [hbm:s0], s1  }
0x63: {  	s0 =	simm.s32 @!p0 $0x1  }
0x64: {  	_ =	swait.ge @!p0 [sflag:s0], s1  }
0x65: {  	s1 =	ssub.s32 @!p0 $0x0, s1;
	[sflag:s0] =	ssyncset.done @!p0 $0x0  }
0x66: {  	[sflag:s0] =	ssyncadd.s32 @!p0 s1  }
0x67: {  	[bflag:$0x3] =	sbarrier.arrive $0xFFFF  }
0x68: {  	_ =	shalt  }

</sc_bundles>
